<compile_context>
chip_gen: v7x
topology: tpu7x:2x2x1
jax: 0.10.2.dev20260603
libtpu: 0.0.44.dev20260713+nightly
codegen_flags: <defaults>
</compile_context>

<pallas_src>
import functools

import jax
import jax.numpy as jnp
from jax import lax
from jax.experimental import pallas as pl
from jax.experimental.pallas import tpu as pltpu
from jax.experimental.pallas import tpu_sc as plsc


def _emb_call(n_rows, vocab, d, n_workers, n_cores, chunk):
    n_ch = n_rows // (n_workers * chunk)
    per_w = n_ch * chunk

    nbuf = 6
    ahead = 3

    mesh = plsc.VectorSubcoreMesh(core_axis_name="c", subcore_axis_name="s")

    @functools.partial(
        pl.kernel,
        mesh=mesh,
        out_type=jax.ShapeDtypeStruct((n_rows, d), jnp.float32),
        scratch_types=[
            pltpu.VMEM((n_ch, chunk), jnp.int32),
            pltpu.VMEM((nbuf, chunk, d), jnp.float32),
            pltpu.SemaphoreType.DMA((nbuf,)),
            pltpu.SemaphoreType.DMA((nbuf,)),
        ],
    )
    def emb(idx_hbm, table_hbm, out_hbm, idx_v, rows_v, gsem, ssem):
        wid = lax.axis_index("s") * n_cores + lax.axis_index("c")
        base = wid * per_w

        pltpu.sync_copy(idx_hbm.at[wid], idx_v)

        def gather(j):
            buf = lax.rem(j, nbuf)
            pltpu.async_copy(
                table_hbm.at[idx_v.at[j]], rows_v.at[buf], gsem.at[buf]
            )

        def scatter(j):
            buf = lax.rem(j, nbuf)
            pltpu.async_copy(
                rows_v.at[buf],
                out_hbm.at[pl.ds(base + j * chunk, chunk)],
                ssem.at[buf],
            )

        def wait_gather(j):
            buf = lax.rem(j, nbuf)
            pltpu.make_async_copy(
                table_hbm.at[idx_v.at[0]], rows_v.at[buf], gsem.at[buf]
            ).wait()

        def wait_scatter(j):
            buf = lax.rem(j, nbuf)
            pltpu.make_async_copy(
                rows_v.at[buf],
                out_hbm.at[pl.ds(base + j * chunk, chunk)],
                ssem.at[buf],
            ).wait()

        for j in range(ahead):
            gather(j)

        def body(j, _):
            g = j + ahead

            @pl.when(g < n_ch)
            def _():
                @pl.when(j >= nbuf - ahead)
                def _():
                    wait_scatter(g - nbuf)

                gather(g)

            wait_gather(j)
            scatter(j)
            return 0

        lax.fori_loop(0, n_ch, body, 0)
        for k in range(nbuf):
            wait_scatter(n_ch - nbuf + k)

    return emb


def kernel(indices, table):
    n_b, l = indices.shape
    vocab, d = table.shape
    n_rows = n_b * l

    info = plsc.get_sparse_core_info()
    n_workers = info.num_cores * info.num_subcores
    chunk = 128
    assert n_rows % (n_workers * chunk) == 0

    flat_idx = indices.T.reshape(
        n_workers, n_rows // (n_workers * chunk), chunk
    ).astype(jnp.int32)
    out = _emb_call(n_rows, vocab, d, n_workers, info.num_cores, chunk)(
        flat_idx, table
    )
    return out.reshape(l, n_b, d).transpose(1, 0, 2)

# --- scband reference (transcript-rebuilt; emitter-appended) ---
"""Pipeline reference for scband-word-embedding-41162966565509 (READ-ONLY COPY).

The authoritative reference and input builder live on the scoring server;
editing this copy changes nothing except your own understanding.
"""

import jax, jax.numpy as jnp
import numpy as np

B = 4096
L = 50
VOCAB = 100000
D = 128

def setup_inputs(seed: int = 0) -> dict:
    key = jax.random.key(seed)
    k1, k2 = jax.random.split(key)
    indices = jax.random.randint(k1, (B, L), 0, VOCAB, dtype=jnp.int64 if jax.config.jax_enable_x64 else jnp.int32)
    table = jax.random.normal(k2, (VOCAB, D), dtype=jnp.float32) * 0.02
    return {"indices": indices, "table": table}

def reference(indices, table):
    # Faithful translation of the trainable-embedding path of WordEmbedding:
    # nn.Embedding(len(w2i), N_word) applied to token indices -> [B, L, N_word]
    emb = jnp.take(table, indices, axis=0)
    return emb

if __name__ == "__main__":
    import jax
    _d = setup_inputs()
    print(jax.jit(kernel)(*tuple(_d.values())))

</pallas_src>

<mosaic_0001>
#map = affine_map<(d0, d1) -> (0, 0, 0)>
#map1 = affine_map<(d0, d1) -> (0, 0)>
module attributes {stable_mosaic.version = 14 : i64} {
  func.func @emb(%arg0: i32, %arg1: i32, %arg2: memref<32x50x128xi32, #tpu.memory_space<hbm>>, %arg3: memref<100000x128xf32, #tpu.memory_space<hbm>>, %arg4: memref<204800x128xf32, #tpu.memory_space<hbm>>, %arg5: memref<50x128xi32, #tpu.memory_space<vmem>>, %arg6: memref<6x128x128xf32, #tpu.memory_space<vmem>>, %arg7: memref<6x!tpu.dma_semaphore, #tpu.memory_space<semaphore_mem>>, %arg8: memref<6x!tpu.dma_semaphore, #tpu.memory_space<semaphore_mem>>) attributes {dimension_semantics = [#tpu.dimension_semantics<core_parallel>, #tpu.dimension_semantics<subcore_parallel>], iteration_bounds = array<i64: 2, 16>, scalar_prefetch = 0 : i64, scratch_operands = 4 : i64, tpu.core_type = #tpu.core_type<sc_vector_subcore>, window_params = [{transform_indices = #map}, {transform_indices = #map1}, {transform_indices = #map1}]} {
    %mul3A = arith.constant 2 : i32
    %mul3A_0 = arith.muli %arg1, %mul3A : i32
    %add3A = arith.addi %mul3A_0, %arg0 : i32
    %mul3A_1 = arith.constant 6400 : i32
    %mul3A_2 = arith.muli %add3A, %mul3A_1 : i32
    "tpu.region"() ({
      %run_scoped3A = tpu.sem_alloc : memref<!tpu.dma_semaphore, #tpu.memory_space<semaphore_mem>>
      %dma_start3A_168 = arith.constant 0 : i32
      %dma_start3A_169 = arith.constant 0 : i32
      %dma_start3A_170 = tpu.memref_slice %arg2[%add3A, %dma_start3A_168, %dma_start3A_169] : memref<32x50x128xi32, #tpu.memory_space<hbm>> -> memref<1x50x128xi32, #tpu.memory_space<hbm>>
      %dma_start3A_171 = tpu.memref_squeeze %dma_start3A_170 : memref<1x50x128xi32, #tpu.memory_space<hbm>> -> memref<50x128xi32, #tpu.memory_space<hbm>>
      %dma_start3A_172 = arith.constant 0 : i32
      %dma_start3A_173 = arith.constant 0 : i32
      %dma_start3A_174 = tpu.memref_slice %arg2[%add3A, %dma_start3A_172, %dma_start3A_173] : memref<32x50x128xi32, #tpu.memory_space<hbm>> -> memref<1x50x128xi32, #tpu.memory_space<hbm>>
      %dma_start3A_175 = tpu.memref_squeeze %dma_start3A_174 : memref<1x50x128xi32, #tpu.memory_space<hbm>> -> memref<50x128xi32, #tpu.memory_space<hbm>>
      tpu.enqueue_dma source(%dma_start3A_175 : memref<50x128xi32, #tpu.memory_space<hbm>>) target(%arg5 : memref<50x128xi32, #tpu.memory_space<vmem>>) target_semaphore(%run_scoped3A : memref<!tpu.dma_semaphore, #tpu.memory_space<semaphore_mem>>)
      %dma_wait3A_176 = arith.constant 0 : i32
      %dma_wait3A_177 = arith.constant 0 : i32
      %dma_wait3A_178 = tpu.memref_slice %arg2[%add3A, %dma_wait3A_176, %dma_wait3A_177] : memref<32x50x128xi32, #tpu.memory_space<hbm>> -> memref<1x50x128xi32, #tpu.memory_space<hbm>>
      %dma_wait3A_179 = tpu.memref_squeeze %dma_wait3A_178 : memref<1x50x128xi32, #tpu.memory_space<hbm>> -> memref<50x128xi32, #tpu.memory_space<hbm>>
      %dma_wait3A_180 = arith.constant 0 : i32
      %dma_wait3A_181 = arith.constant 0 : i32
      %dma_wait3A_182 = tpu.memref_slice %arg2[%add3A, %dma_wait3A_180, %dma_wait3A_181] : memref<32x50x128xi32, #tpu.memory_space<hbm>> -> memref<1x50x128xi32, #tpu.memory_space<hbm>>
      %dma_wait3A_183 = tpu.memref_squeeze %dma_wait3A_182 : memref<1x50x128xi32, #tpu.memory_space<hbm>> -> memref<50x128xi32, #tpu.memory_space<hbm>>
      tpu.wait_dma2 semaphore(%run_scoped3A : memref<!tpu.dma_semaphore, #tpu.memory_space<semaphore_mem>>) src(%dma_wait3A_183 : memref<50x128xi32, #tpu.memory_space<hbm>>) dst(%arg5 : memref<50x128xi32, #tpu.memory_space<vmem>>)
      tpu.yield
    }) : () -> ()
    %rem3A = arith.constant 0 : i32
    %rem3A_3 = arith.constant 6 : i32
    %rem3A_4 = arith.remsi %rem3A, %rem3A_3 : i32
    %dma_start3A = arith.constant 0 : i32
    %dma_start3A_5 = arith.constant 0 : i32
    %dma_start3A_6 = arith.constant 0 : i32
    %dma_start3A_7 = tpu.memref_slice %arg6[%rem3A_4, %dma_start3A_5, %dma_start3A_6] : memref<6x128x128xf32, #tpu.memory_space<vmem>> -> memref<1x128x128xf32, #tpu.memory_space<vmem>>
    %dma_start3A_8 = tpu.memref_squeeze %dma_start3A_7 : memref<1x128x128xf32, #tpu.memory_space<vmem>> -> memref<128x128xf32, #tpu.memory_space<vmem>>
    %dma_start3A_9 = arith.constant 0 : i32
    %dma_start3A_10 = tpu.memref_slice %arg5[%dma_start3A, %dma_start3A_9] : memref<50x128xi32, #tpu.memory_space<vmem>> -> memref<1x128xi32, #tpu.memory_space<vmem>>
    %dma_start3A_11 = tpu.memref_squeeze %dma_start3A_10 : memref<1x128xi32, #tpu.memory_space<vmem>> -> memref<128xi32, #tpu.memory_space<vmem>>
    %dma_start3A_12 = arith.constant 0 : i32
    %dma_start3A_13 = arith.constant 0 : i32
    %dma_start3A_14 = tpu.memref_slice %arg3[%dma_start3A_12, %dma_start3A_13] : memref<100000x128xf32, #tpu.memory_space<hbm>> -> memref<100000x128xf32, #tpu.memory_space<hbm>>
    %dma_start3A_15 = tpu.memref_slice %arg7[%rem3A_4] : memref<6x!tpu.dma_semaphore, #tpu.memory_space<semaphore_mem>> -> memref<1x!tpu.dma_semaphore, #tpu.memory_space<semaphore_mem>>
    %dma_start3A_16 = tpu.memref_squeeze %dma_start3A_15 : memref<1x!tpu.dma_semaphore, #tpu.memory_space<semaphore_mem>> -> memref<!tpu.dma_semaphore, #tpu.memory_space<semaphore_mem>>
    tpu.enqueue_indirect_dma source(%dma_start3A_14 : memref<100000x128xf32, #tpu.memory_space<hbm>>) target(%dma_start3A_8 : memref<128x128xf32, #tpu.memory_space<vmem>>) offsets(%dma_start3A_11 : memref<128xi32, #tpu.memory_space<vmem>>) semaphore(%dma_start3A_16 : memref<!tpu.dma_semaphore, #tpu.memory_space<semaphore_mem>>)
    %rem3A_17 = arith.constant 1 : i32
    %rem3A_18 = arith.constant 6 : i32
    %rem3A_19 = arith.remsi %rem3A_17, %rem3A_18 : i32
    %dma_start3A_20 = arith.constant 1 : i32
    %dma_start3A_21 = arith.constant 0 : i32
    %dma_start3A_22 = arith.constant 0 : i32
    %dma_start3A_23 = tpu.memref_slice %arg6[%rem3A_19, %dma_start3A_21, %dma_start3A_22] : memref<6x128x128xf32, #tpu.memory_space<vmem>> -> memref<1x128x128xf32, #tpu.memory_space<vmem>>
    %dma_start3A_24 = tpu.memref_squeeze %dma_start3A_23 : memref<1x128x128xf32, #tpu.memory_space<vmem>> -> memref<128x128xf32, #tpu.memory_space<vmem>>
    %dma_start3A_25 = arith.constant 0 : i32
    %dma_start3A_26 = tpu.memref_slice %arg5[%dma_start3A_20, %dma_start3A_25] : memref<50x128xi32, #tpu.memory_space<vmem>> -> memref<1x128xi32, #tpu.memory_space<vmem>>
    %dma_start3A_27 = tpu.memref_squeeze %dma_start3A_26 : memref<1x128xi32, #tpu.memory_space<vmem>> -> memref<128xi32, #tpu.memory_space<vmem>>
    %dma_start3A_28 = arith.constant 0 : i32
    %dma_start3A_29 = arith.constant 0 : i32
    %dma_start3A_30 = tpu.memref_slice %arg3[%dma_start3A_28, %dma_start3A_29] : memref<100000x128xf32, #tpu.memory_space<hbm>> -> memref<100000x128xf32, #tpu.memory_space<hbm>>
    %dma_start3A_31 = tpu.memref_slice %arg7[%rem3A_19] : memref<6x!tpu.dma_semaphore, #tpu.memory_space<semaphore_mem>> -> memref<1x!tpu.dma_semaphore, #tpu.memory_space<semaphore_mem>>
    %dma_start3A_32 = tpu.memref_squeeze %dma_start3A_31 : memref<1x!tpu.dma_semaphore, #tpu.memory_space<semaphore_mem>> -> memref<!tpu.dma_semaphore, #tpu.memory_space<semaphore_mem>>
    tpu.enqueue_indirect_dma source(%dma_start3A_30 : memref<100000x128xf32, #tpu.memory_space<hbm>>) target(%dma_start3A_24 : memref<128x128xf32, #tpu.memory_space<vmem>>) offsets(%dma_start3A_27 : memref<128xi32, #tpu.memory_space<vmem>>) semaphore(%dma_start3A_32 : memref<!tpu.dma_semaphore, #tpu.memory_space<semaphore_mem>>)
    %rem3A_33 = arith.constant 2 : i32
    %rem3A_34 = arith.constant 6 : i32
    %rem3A_35 = arith.remsi %rem3A_33, %rem3A_34 : i32
    %dma_start3A_36 = arith.constant 2 : i32
    %dma_start3A_37 = arith.constant 0 : i32
    %dma_start3A_38 = arith.constant 0 : i32
    %dma_start3A_39 = tpu.memref_slice %arg6[%rem3A_35, %dma_start3A_37, %dma_start3A_38] : memref<6x128x128xf32, #tpu.memory_space<vmem>> -> memref<1x128x128xf32, #tpu.memory_space<vmem>>
    %dma_start3A_40 = tpu.memref_squeeze %dma_start3A_39 : memref<1x128x128xf32, #tpu.memory_space<vmem>> -> memref<128x128xf32, #tpu.memory_space<vmem>>
    %dma_start3A_41 = arith.constant 0 : i32
    %dma_start3A_42 = tpu.memref_slice %arg5[%dma_start3A_36, %dma_start3A_41] : memref<50x128xi32, #tpu.memory_space<vmem>> -> memref<1x128xi32, #tpu.memory_space<vmem>>
    %dma_start3A_43 = tpu.memref_squeeze %dma_start3A_42 : memref<1x128xi32, #tpu.memory_space<vmem>> -> memref<128xi32, #tpu.memory_space<vmem>>
    %dma_start3A_44 = arith.constant 0 : i32
    %dma_start3A_45 = arith.constant 0 : i32
    %dma_start3A_46 = tpu.memref_slice %arg3[%dma_start3A_44, %dma_start3A_45] : memref<100000x128xf32, #tpu.memory_space<hbm>> -> memref<100000x128xf32, #tpu.memory_space<hbm>>
    %dma_start3A_47 = tpu.memref_slice %arg7[%rem3A_35] : memref<6x!tpu.dma_semaphore, #tpu.memory_space<semaphore_mem>> -> memref<1x!tpu.dma_semaphore, #tpu.memory_space<semaphore_mem>>
    %dma_start3A_48 = tpu.memref_squeeze %dma_start3A_47 : memref<1x!tpu.dma_semaphore, #tpu.memory_space<semaphore_mem>> -> memref<!tpu.dma_semaphore, #tpu.memory_space<semaphore_mem>>
    tpu.enqueue_indirect_dma source(%dma_start3A_46 : memref<100000x128xf32, #tpu.memory_space<hbm>>) target(%dma_start3A_40 : memref<128x128xf32, #tpu.memory_space<vmem>>) offsets(%dma_start3A_43 : memref<128xi32, #tpu.memory_space<vmem>>) semaphore(%dma_start3A_48 : memref<!tpu.dma_semaphore, #tpu.memory_space<semaphore_mem>>)
    %scan3A = arith.constant 0 : i32
    %scan3A_49 = arith.constant 0 : i32
    %scan3A_50 = arith.constant 50 : i32
    %scan3A_51 = arith.addi %scan3A_49, %scan3A_50 : i32
    %scan3A_52 = arith.constant 1 : i32
    %scan3A_53 = scf.for %scan3A_168 = %scan3A_49 to %scan3A_51 step %scan3A_52 iter_args(%scan3A_169 = %scan3A) -> (i32)  : i32 {
      %add3A_170 = arith.constant 3 : i32
      %add3A_171 = arith.addi %scan3A_168, %add3A_170 : i32
      %lt3A = arith.constant 50 : i32
      %lt3A_172 = arith.cmpi slt, %add3A_171, %lt3A : i32
      %convert_element_type3A = arith.extui %lt3A_172 : i1 to i32
      %cond3A = arith.constant 0 : i32
      %cond3A_173 = arith.cmpi ne, %convert_element_type3A, %cond3A : i32
      scf.if %cond3A_173 {
        %ge3A = arith.constant 3 : i32
        %ge3A_209 = arith.cmpi sge, %scan3A_168, %ge3A : i32
        %convert_element_type3A_210 = arith.extui %ge3A_209 : i1 to i32
        %cond3A_211 = arith.constant 0 : i32
        %cond3A_212 = arith.cmpi ne, %convert_element_type3A_210, %cond3A_211 : i32
        scf.if %cond3A_212 {
          %sub3A = arith.constant 6 : i32
          %sub3A_227 = arith.subi %add3A_171, %sub3A : i32
          %rem3A_228 = arith.constant 6 : i32
          %rem3A_229 = arith.remsi %sub3A_227, %rem3A_228 : i32
          %mul3A_230 = arith.constant 128 : i32
          %mul3A_231 = arith.muli %sub3A_227, %mul3A_230 : i32
          %add3A_232 = arith.addi %mul3A_2, %mul3A_231 : i32
          %dma_wait3A_233 = arith.constant 0 : i32
          %dma_wait3A_234 = arith.constant 0 : i32
          %dma_wait3A_235 = tpu.memref_slice %arg6[%rem3A_229, %dma_wait3A_233, %dma_wait3A_234] : memref<6x128x128xf32, #tpu.memory_space<vmem>> -> memref<1x128x128xf32, #tpu.memory_space<vmem>>
          %dma_wait3A_236 = tpu.memref_squeeze %dma_wait3A_235 : memref<1x128x128xf32, #tpu.memory_space<vmem>> -> memref<128x128xf32, #tpu.memory_space<vmem>>
          %dma_wait3A_237 = arith.constant 0 : i32
          %dma_wait3A_238 = tpu.memref_slice %arg4[%add3A_232, %dma_wait3A_237] : memref<204800x128xf32, #tpu.memory_space<hbm>> -> memref<128x128xf32, #tpu.memory_space<hbm>>
          %dma_wait3A_239 = tpu.memref_slice %arg8[%rem3A_229] : memref<6x!tpu.dma_semaphore, #tpu.memory_space<semaphore_mem>> -> memref<1x!tpu.dma_semaphore, #tpu.memory_space<semaphore_mem>>
          %dma_wait3A_240 = tpu.memref_squeeze %dma_wait3A_239 : memref<1x!tpu.dma_semaphore, #tpu.memory_space<semaphore_mem>> -> memref<!tpu.dma_semaphore, #tpu.memory_space<semaphore_mem>>
          %dma_wait3A_241 = arith.constant 0 : i32
          %dma_wait3A_242 = tpu.memref_slice %arg4[%add3A_232, %dma_wait3A_241] : memref<204800x128xf32, #tpu.memory_space<hbm>> -> memref<128x128xf32, #tpu.memory_space<hbm>>
          %dma_wait3A_243 = arith.constant 0 : i32
          %dma_wait3A_244 = arith.constant 0 : i32
          %dma_wait3A_245 = tpu.memref_slice %arg6[%rem3A_229, %dma_wait3A_243, %dma_wait3A_244] : memref<6x128x128xf32, #tpu.memory_space<vmem>> -> memref<1x128x128xf32, #tpu.memory_space<vmem>>
          %dma_wait3A_246 = tpu.memref_squeeze %dma_wait3A_245 : memref<1x128x128xf32, #tpu.memory_space<vmem>> -> memref<128x128xf32, #tpu.memory_space<vmem>>
          tpu.wait_dma2 semaphore(%dma_wait3A_240 : memref<!tpu.dma_semaphore, #tpu.memory_space<semaphore_mem>>) src(%dma_wait3A_246 : memref<128x128xf32, #tpu.memory_space<vmem>>) dst(%dma_wait3A_242 : memref<128x128xf32, #tpu.memory_space<hbm>>)
        } else {
        }
        %rem3A_213 = arith.constant 6 : i32
        %rem3A_214 = arith.remsi %add3A_171, %rem3A_213 : i32
        %dma_start3A_215 = arith.constant 0 : i32
        %dma_start3A_216 = arith.constant 0 : i32
        %dma_start3A_217 = tpu.memref_slice %arg6[%rem3A_214, %dma_start3A_215, %dma_start3A_216] : memref<6x128x128xf32, #tpu.memory_space<vmem>> -> memref<1x128x128xf32, #tpu.memory_space<vmem>>
        %dma_start3A_218 = tpu.memref_squeeze %dma_start3A_217 : memref<1x128x128xf32, #tpu.memory_space<vmem>> -> memref<128x128xf32, #tpu.memory_space<vmem>>
        %dma_start3A_219 = arith.constant 0 : i32
        %dma_start3A_220 = tpu.memref_slice %arg5[%add3A_171, %dma_start3A_219] : memref<50x128xi32, #tpu.memory_space<vmem>> -> memref<1x128xi32, #tpu.memory_space<vmem>>
        %dma_start3A_221 = tpu.memref_squeeze %dma_start3A_220 : memref<1x128xi32, #tpu.memory_space<vmem>> -> memref<128xi32, #tpu.memory_space<vmem>>
        %dma_start3A_222 = arith.constant 0 : i32
        %dma_start3A_223 = arith.constant 0 : i32
        %dma_start3A_224 = tpu.memref_slice %arg3[%dma_start3A_222, %dma_start3A_223] : memref<100000x128xf32, #tpu.memory_space<hbm>> -> memref<100000x128xf32, #tpu.memory_space<hbm>>
        %dma_start3A_225 = tpu.memref_slice %arg7[%rem3A_214] : memref<6x!tpu.dma_semaphore, #tpu.memory_space<semaphore_mem>> -> memref<1x!tpu.dma_semaphore, #tpu.memory_space<semaphore_mem>>
        %dma_start3A_226 = tpu.memref_squeeze %dma_start3A_225 : memref<1x!tpu.dma_semaphore, #tpu.memory_space<semaphore_mem>> -> memref<!tpu.dma_semaphore, #tpu.memory_space<semaphore_mem>>
        tpu.enqueue_indirect_dma source(%dma_start3A_224 : memref<100000x128xf32, #tpu.memory_space<hbm>>) target(%dma_start3A_218 : memref<128x128xf32, #tpu.memory_space<vmem>>) offsets(%dma_start3A_221 : memref<128xi32, #tpu.memory_space<vmem>>) semaphore(%dma_start3A_226 : memref<!tpu.dma_semaphore, #tpu.memory_space<semaphore_mem>>)
      } else {
      }
      %rem3A_174 = arith.constant 6 : i32
      %rem3A_175 = arith.remsi %scan3A_168, %rem3A_174 : i32
      %dma_wait3A_176 = arith.constant 0 : i32
      %dma_wait3A_177 = arith.constant 0 : i32
      %dma_wait3A_178 = arith.constant 0 : i32
      %dma_wait3A_179 = tpu.memref_slice %arg6[%rem3A_175, %dma_wait3A_177, %dma_wait3A_178] : memref<6x128x128xf32, #tpu.memory_space<vmem>> -> memref<1x128x128xf32, #tpu.memory_space<vmem>>
      %dma_wait3A_180 = tpu.memref_squeeze %dma_wait3A_179 : memref<1x128x128xf32, #tpu.memory_space<vmem>> -> memref<128x128xf32, #tpu.memory_space<vmem>>
      %dma_wait3A_181 = arith.constant 0 : i32
      %dma_wait3A_182 = tpu.memref_slice %arg5[%dma_wait3A_176, %dma_wait3A_181] : memref<50x128xi32, #tpu.memory_space<vmem>> -> memref<1x128xi32, #tpu.memory_space<vmem>>
      %dma_wait3A_183 = tpu.memref_squeeze %dma_wait3A_182 : memref<1x128xi32, #tpu.memory_space<vmem>> -> memref<128xi32, #tpu.memory_space<vmem>>
      %dma_wait3A_184 = arith.constant 0 : i32
      %dma_wait3A_185 = arith.constant 0 : i32
      %dma_wait3A_186 = tpu.memref_slice %arg3[%dma_wait3A_184, %dma_wait3A_185] : memref<100000x128xf32, #tpu.memory_space<hbm>> -> memref<100000x128xf32, #tpu.memory_space<hbm>>
      %dma_wait3A_187 = tpu.memref_slice %arg7[%rem3A_175] : memref<6x!tpu.dma_semaphore, #tpu.memory_space<semaphore_mem>> -> memref<1x!tpu.dma_semaphore, #tpu.memory_space<semaphore_mem>>
      %dma_wait3A_188 = tpu.memref_squeeze %dma_wait3A_187 : memref<1x!tpu.dma_semaphore, #tpu.memory_space<semaphore_mem>> -> memref<!tpu.dma_semaphore, #tpu.memory_space<semaphore_mem>>
      tpu.wait_indirect_dma semaphore(%dma_wait3A_188 : memref<!tpu.dma_semaphore, #tpu.memory_space<semaphore_mem>>) src(%dma_wait3A_186 : memref<100000x128xf32, #tpu.memory_space<hbm>>) dst(%dma_wait3A_180 : memref<128x128xf32, #tpu.memory_space<vmem>>)
      %rem3A_189 = arith.constant 6 : i32
      %rem3A_190 = arith.remsi %scan3A_168, %rem3A_189 : i32
      %mul3A_191 = arith.constant 128 : i32
      %mul3A_192 = arith.muli %scan3A_168, %mul3A_191 : i32
      %add3A_193 = arith.addi %mul3A_2, %mul3A_192 : i32
      %dma_start3A_194 = arith.constant 0 : i32
      %dma_start3A_195 = arith.constant 0 : i32
      %dma_start3A_196 = tpu.memref_slice %arg6[%rem3A_190, %dma_start3A_194, %dma_start3A_195] : memref<6x128x128xf32, #tpu.memory_space<vmem>> -> memref<1x128x128xf32, #tpu.memory_space<vmem>>
      %dma_start3A_197 = tpu.memref_squeeze %dma_start3A_196 : memref<1x128x128xf32, #tpu.memory_space<vmem>> -> memref<128x128xf32, #tpu.memory_space<vmem>>
      %dma_start3A_198 = arith.constant 0 : i32
      %dma_start3A_199 = tpu.memref_slice %arg4[%add3A_193, %dma_start3A_198] : memref<204800x128xf32, #tpu.memory_space<hbm>> -> memref<128x128xf32, #tpu.memory_space<hbm>>
      %dma_start3A_200 = tpu.memref_slice %arg8[%rem3A_190] : memref<6x!tpu.dma_semaphore, #tpu.memory_space<semaphore_mem>> -> memref<1x!tpu.dma_semaphore, #tpu.memory_space<semaphore_mem>>
      %dma_start3A_201 = tpu.memref_squeeze %dma_start3A_200 : memref<1x!tpu.dma_semaphore, #tpu.memory_space<semaphore_mem>> -> memref<!tpu.dma_semaphore, #tpu.memory_space<semaphore_mem>>
      %dma_start3A_202 = arith.constant 0 : i32
      %dma_start3A_203 = tpu.memref_slice %arg4[%add3A_193, %dma_start3A_202] : memref<204800x128xf32, #tpu.memory_space<hbm>> -> memref<128x128xf32, #tpu.memory_space<hbm>>
      %dma_start3A_204 = arith.constant 0 : i32
      %dma_start3A_205 = arith.constant 0 : i32
      %dma_start3A_206 = tpu.memref_slice %arg6[%rem3A_190, %dma_start3A_204, %dma_start3A_205] : memref<6x128x128xf32, #tpu.memory_space<vmem>> -> memref<1x128x128xf32, #tpu.memory_space<vmem>>
      %dma_start3A_207 = tpu.memref_squeeze %dma_start3A_206 : memref<1x128x128xf32, #tpu.memory_space<vmem>> -> memref<128x128xf32, #tpu.memory_space<vmem>>
      tpu.enqueue_dma source(%dma_start3A_207 : memref<128x128xf32, #tpu.memory_space<vmem>>) target(%dma_start3A_203 : memref<128x128xf32, #tpu.memory_space<hbm>>) target_semaphore(%dma_start3A_201 : memref<!tpu.dma_semaphore, #tpu.memory_space<semaphore_mem>>)
      %scan3A_208 = arith.constant 0 : i32
      scf.yield %scan3A_208 : i32
    }
    %scan3A_54 = arith.constant 50 : i32
    %rem3A_55 = arith.constant 44 : i32
    %rem3A_56 = arith.constant 6 : i32
    %rem3A_57 = arith.remsi %rem3A_55, %rem3A_56 : i32
    %add3A_58 = arith.constant 5632 : i32
    %add3A_59 = arith.addi %mul3A_2, %add3A_58 : i32
    %dma_wait3A = arith.constant 0 : i32
    %dma_wait3A_60 = arith.constant 0 : i32
    %dma_wait3A_61 = tpu.memref_slice %arg6[%rem3A_57, %dma_wait3A, %dma_wait3A_60] : memref<6x128x128xf32, #tpu.memory_space<vmem>> -> memref<1x128x128xf32, #tpu.memory_space<vmem>>
    %dma_wait3A_62 = tpu.memref_squeeze %dma_wait3A_61 : memref<1x128x128xf32, #tpu.memory_space<vmem>> -> memref<128x128xf32, #tpu.memory_space<vmem>>
    %dma_wait3A_63 = arith.constant 0 : i32
    %dma_wait3A_64 = tpu.memref_slice %arg4[%add3A_59, %dma_wait3A_63] : memref<204800x128xf32, #tpu.memory_space<hbm>> -> memref<128x128xf32, #tpu.memory_space<hbm>>
    %dma_wait3A_65 = tpu.memref_slice %arg8[%rem3A_57] : memref<6x!tpu.dma_semaphore, #tpu.memory_space<semaphore_mem>> -> memref<1x!tpu.dma_semaphore, #tpu.memory_space<semaphore_mem>>
    %dma_wait3A_66 = tpu.memref_squeeze %dma_wait3A_65 : memref<1x!tpu.dma_semaphore, #tpu.memory_space<semaphore_mem>> -> memref<!tpu.dma_semaphore, #tpu.memory_space<semaphore_mem>>
    %dma_wait3A_67 = arith.constant 0 : i32
    %dma_wait3A_68 = tpu.memref_slice %arg4[%add3A_59, %dma_wait3A_67] : memref<204800x128xf32, #tpu.memory_space<hbm>> -> memref<128x128xf32, #tpu.memory_space<hbm>>
    %dma_wait3A_69 = arith.constant 0 : i32
    %dma_wait3A_70 = arith.constant 0 : i32
    %dma_wait3A_71 = tpu.memref_slice %arg6[%rem3A_57, %dma_wait3A_69, %dma_wait3A_70] : memref<6x128x128xf32, #tpu.memory_space<vmem>> -> memref<1x128x128xf32, #tpu.memory_space<vmem>>
    %dma_wait3A_72 = tpu.memref_squeeze %dma_wait3A_71 : memref<1x128x128xf32, #tpu.memory_space<vmem>> -> memref<128x128xf32, #tpu.memory_space<vmem>>
    tpu.wait_dma2 semaphore(%dma_wait3A_66 : memref<!tpu.dma_semaphore, #tpu.memory_space<semaphore_mem>>) src(%dma_wait3A_72 : memref<128x128xf32, #tpu.memory_space<vmem>>) dst(%dma_wait3A_68 : memref<128x128xf32, #tpu.memory_space<hbm>>)
    %rem3A_73 = arith.constant 45 : i32
    %rem3A_74 = arith.constant 6 : i32
    %rem3A_75 = arith.remsi %rem3A_73, %rem3A_74 : i32
    %add3A_76 = arith.constant 5760 : i32
    %add3A_77 = arith.addi %mul3A_2, %add3A_76 : i32
    %dma_wait3A_78 = arith.constant 0 : i32
    %dma_wait3A_79 = arith.constant 0 : i32
    %dma_wait3A_80 = tpu.memref_slice %arg6[%rem3A_75, %dma_wait3A_78, %dma_wait3A_79] : memref<6x128x128xf32, #tpu.memory_space<vmem>> -> memref<1x128x128xf32, #tpu.memory_space<vmem>>
    %dma_wait3A_81 = tpu.memref_squeeze %dma_wait3A_80 : memref<1x128x128xf32, #tpu.memory_space<vmem>> -> memref<128x128xf32, #tpu.memory_space<vmem>>
    %dma_wait3A_82 = arith.constant 0 : i32
    %dma_wait3A_83 = tpu.memref_slice %arg4[%add3A_77, %dma_wait3A_82] : memref<204800x128xf32, #tpu.memory_space<hbm>> -> memref<128x128xf32, #tpu.memory_space<hbm>>
    %dma_wait3A_84 = tpu.memref_slice %arg8[%rem3A_75] : memref<6x!tpu.dma_semaphore, #tpu.memory_space<semaphore_mem>> -> memref<1x!tpu.dma_semaphore, #tpu.memory_space<semaphore_mem>>
    %dma_wait3A_85 = tpu.memref_squeeze %dma_wait3A_84 : memref<1x!tpu.dma_semaphore, #tpu.memory_space<semaphore_mem>> -> memref<!tpu.dma_semaphore, #tpu.memory_space<semaphore_mem>>
    %dma_wait3A_86 = arith.constant 0 : i32
    %dma_wait3A_87 = tpu.memref_slice %arg4[%add3A_77, %dma_wait3A_86] : memref<204800x128xf32, #tpu.memory_space<hbm>> -> memref<128x128xf32, #tpu.memory_space<hbm>>
    %dma_wait3A_88 = arith.constant 0 : i32
    %dma_wait3A_89 = arith.constant 0 : i32
    %dma_wait3A_90 = tpu.memref_slice %arg6[%rem3A_75, %dma_wait3A_88, %dma_wait3A_89] : memref<6x128x128xf32, #tpu.memory_space<vmem>> -> memref<1x128x128xf32, #tpu.memory_space<vmem>>
    %dma_wait3A_91 = tpu.memref_squeeze %dma_wait3A_90 : memref<1x128x128xf32, #tpu.memory_space<vmem>> -> memref<128x128xf32, #tpu.memory_space<vmem>>
    tpu.wait_dma2 semaphore(%dma_wait3A_85 : memref<!tpu.dma_semaphore, #tpu.memory_space<semaphore_mem>>) src(%dma_wait3A_91 : memref<128x128xf32, #tpu.memory_space<vmem>>) dst(%dma_wait3A_87 : memref<128x128xf32, #tpu.memory_space<hbm>>)
    %rem3A_92 = arith.constant 46 : i32
    %rem3A_93 = arith.constant 6 : i32
    %rem3A_94 = arith.remsi %rem3A_92, %rem3A_93 : i32
    %add3A_95 = arith.constant 5888 : i32
    %add3A_96 = arith.addi %mul3A_2, %add3A_95 : i32
    %dma_wait3A_97 = arith.constant 0 : i32
    %dma_wait3A_98 = arith.constant 0 : i32
    %dma_wait3A_99 = tpu.memref_slice %arg6[%rem3A_94, %dma_wait3A_97, %dma_wait3A_98] : memref<6x128x128xf32, #tpu.memory_space<vmem>> -> memref<1x128x128xf32, #tpu.memory_space<vmem>>
    %dma_wait3A_100 = tpu.memref_squeeze %dma_wait3A_99 : memref<1x128x128xf32, #tpu.memory_space<vmem>> -> memref<128x128xf32, #tpu.memory_space<vmem>>
    %dma_wait3A_101 = arith.constant 0 : i32
    %dma_wait3A_102 = tpu.memref_slice %arg4[%add3A_96, %dma_wait3A_101] : memref<204800x128xf32, #tpu.memory_space<hbm>> -> memref<128x128xf32, #tpu.memory_space<hbm>>
    %dma_wait3A_103 = tpu.memref_slice %arg8[%rem3A_94] : memref<6x!tpu.dma_semaphore, #tpu.memory_space<semaphore_mem>> -> memref<1x!tpu.dma_semaphore, #tpu.memory_space<semaphore_mem>>
    %dma_wait3A_104 = tpu.memref_squeeze %dma_wait3A_103 : memref<1x!tpu.dma_semaphore, #tpu.memory_space<semaphore_mem>> -> memref<!tpu.dma_semaphore, #tpu.memory_space<semaphore_mem>>
    %dma_wait3A_105 = arith.constant 0 : i32
    %dma_wait3A_106 = tpu.memref_slice %arg4[%add3A_96, %dma_wait3A_105] : memref<204800x128xf32, #tpu.memory_space<hbm>> -> memref<128x128xf32, #tpu.memory_space<hbm>>
    %dma_wait3A_107 = arith.constant 0 : i32
    %dma_wait3A_108 = arith.constant 0 : i32
    %dma_wait3A_109 = tpu.memref_slice %arg6[%rem3A_94, %dma_wait3A_107, %dma_wait3A_108] : memref<6x128x128xf32, #tpu.memory_space<vmem>> -> memref<1x128x128xf32, #tpu.memory_space<vmem>>
    %dma_wait3A_110 = tpu.memref_squeeze %dma_wait3A_109 : memref<1x128x128xf32, #tpu.memory_space<vmem>> -> memref<128x128xf32, #tpu.memory_space<vmem>>
    tpu.wait_dma2 semaphore(%dma_wait3A_104 : memref<!tpu.dma_semaphore, #tpu.memory_space<semaphore_mem>>) src(%dma_wait3A_110 : memref<128x128xf32, #tpu.memory_space<vmem>>) dst(%dma_wait3A_106 : memref<128x128xf32, #tpu.memory_space<hbm>>)
    %rem3A_111 = arith.constant 47 : i32
    %rem3A_112 = arith.constant 6 : i32
    %rem3A_113 = arith.remsi %rem3A_111, %rem3A_112 : i32
    %add3A_114 = arith.constant 6016 : i32
    %add3A_115 = arith.addi %mul3A_2, %add3A_114 : i32
    %dma_wait3A_116 = arith.constant 0 : i32
    %dma_wait3A_117 = arith.constant 0 : i32
    %dma_wait3A_118 = tpu.memref_slice %arg6[%rem3A_113, %dma_wait3A_116, %dma_wait3A_117] : memref<6x128x128xf32, #tpu.memory_space<vmem>> -> memref<1x128x128xf32, #tpu.memory_space<vmem>>
    %dma_wait3A_119 = tpu.memref_squeeze %dma_wait3A_118 : memref<1x128x128xf32, #tpu.memory_space<vmem>> -> memref<128x128xf32, #tpu.memory_space<vmem>>
    %dma_wait3A_120 = arith.constant 0 : i32
    %dma_wait3A_121 = tpu.memref_slice %arg4[%add3A_115, %dma_wait3A_120] : memref<204800x128xf32, #tpu.memory_space<hbm>> -> memref<128x128xf32, #tpu.memory_space<hbm>>
    %dma_wait3A_122 = tpu.memref_slice %arg8[%rem3A_113] : memref<6x!tpu.dma_semaphore, #tpu.memory_space<semaphore_mem>> -> memref<1x!tpu.dma_semaphore, #tpu.memory_space<semaphore_mem>>
    %dma_wait3A_123 = tpu.memref_squeeze %dma_wait3A_122 : memref<1x!tpu.dma_semaphore, #tpu.memory_space<semaphore_mem>> -> memref<!tpu.dma_semaphore, #tpu.memory_space<semaphore_mem>>
    %dma_wait3A_124 = arith.constant 0 : i32
    %dma_wait3A_125 = tpu.memref_slice %arg4[%add3A_115, %dma_wait3A_124] : memref<204800x128xf32, #tpu.memory_space<hbm>> -> memref<128x128xf32, #tpu.memory_space<hbm>>
    %dma_wait3A_126 = arith.constant 0 : i32
    %dma_wait3A_127 = arith.constant 0 : i32
    %dma_wait3A_128 = tpu.memref_slice %arg6[%rem3A_113, %dma_wait3A_126, %dma_wait3A_127] : memref<6x128x128xf32, #tpu.memory_space<vmem>> -> memref<1x128x128xf32, #tpu.memory_space<vmem>>
    %dma_wait3A_129 = tpu.memref_squeeze %dma_wait3A_128 : memref<1x128x128xf32, #tpu.memory_space<vmem>> -> memref<128x128xf32, #tpu.memory_space<vmem>>
    tpu.wait_dma2 semaphore(%dma_wait3A_123 : memref<!tpu.dma_semaphore, #tpu.memory_space<semaphore_mem>>) src(%dma_wait3A_129 : memref<128x128xf32, #tpu.memory_space<vmem>>) dst(%dma_wait3A_125 : memref<128x128xf32, #tpu.memory_space<hbm>>)
    %rem3A_130 = arith.constant 48 : i32
    %rem3A_131 = arith.constant 6 : i32
    %rem3A_132 = arith.remsi %rem3A_130, %rem3A_131 : i32
    %add3A_133 = arith.constant 6144 : i32
    %add3A_134 = arith.addi %mul3A_2, %add3A_133 : i32
    %dma_wait3A_135 = arith.constant 0 : i32
    %dma_wait3A_136 = arith.constant 0 : i32
    %dma_wait3A_137 = tpu.memref_slice %arg6[%rem3A_132, %dma_wait3A_135, %dma_wait3A_136] : memref<6x128x128xf32, #tpu.memory_space<vmem>> -> memref<1x128x128xf32, #tpu.memory_space<vmem>>
    %dma_wait3A_138 = tpu.memref_squeeze %dma_wait3A_137 : memref<1x128x128xf32, #tpu.memory_space<vmem>> -> memref<128x128xf32, #tpu.memory_space<vmem>>
    %dma_wait3A_139 = arith.constant 0 : i32
    %dma_wait3A_140 = tpu.memref_slice %arg4[%add3A_134, %dma_wait3A_139] : memref<204800x128xf32, #tpu.memory_space<hbm>> -> memref<128x128xf32, #tpu.memory_space<hbm>>
    %dma_wait3A_141 = tpu.memref_slice %arg8[%rem3A_132] : memref<6x!tpu.dma_semaphore, #tpu.memory_space<semaphore_mem>> -> memref<1x!tpu.dma_semaphore, #tpu.memory_space<semaphore_mem>>
    %dma_wait3A_142 = tpu.memref_squeeze %dma_wait3A_141 : memref<1x!tpu.dma_semaphore, #tpu.memory_space<semaphore_mem>> -> memref<!tpu.dma_semaphore, #tpu.memory_space<semaphore_mem>>
    %dma_wait3A_143 = arith.constant 0 : i32
    %dma_wait3A_144 = tpu.memref_slice %arg4[%add3A_134, %dma_wait3A_143] : memref<204800x128xf32, #tpu.memory_space<hbm>> -> memref<128x128xf32, #tpu.memory_space<hbm>>
    %dma_wait3A_145 = arith.constant 0 : i32
    %dma_wait3A_146 = arith.constant 0 : i32
    %dma_wait3A_147 = tpu.memref_slice %arg6[%rem3A_132, %dma_wait3A_145, %dma_wait3A_146] : memref<6x128x128xf32, #tpu.memory_space<vmem>> -> memref<1x128x128xf32, #tpu.memory_space<vmem>>
    %dma_wait3A_148 = tpu.memref_squeeze %dma_wait3A_147 : memref<1x128x128xf32, #tpu.memory_space<vmem>> -> memref<128x128xf32, #tpu.memory_space<vmem>>
    tpu.wait_dma2 semaphore(%dma_wait3A_142 : memref<!tpu.dma_semaphore, #tpu.memory_space<semaphore_mem>>) src(%dma_wait3A_148 : memref<128x128xf32, #tpu.memory_space<vmem>>) dst(%dma_wait3A_144 : memref<128x128xf32, #tpu.memory_space<hbm>>)
    %rem3A_149 = arith.constant 49 : i32
    %rem3A_150 = arith.constant 6 : i32
    %rem3A_151 = arith.remsi %rem3A_149, %rem3A_150 : i32
    %add3A_152 = arith.constant 6272 : i32
    %add3A_153 = arith.addi %mul3A_2, %add3A_152 : i32
    %dma_wait3A_154 = arith.constant 0 : i32
    %dma_wait3A_155 = arith.constant 0 : i32
    %dma_wait3A_156 = tpu.memref_slice %arg6[%rem3A_151, %dma_wait3A_154, %dma_wait3A_155] : memref<6x128x128xf32, #tpu.memory_space<vmem>> -> memref<1x128x128xf32, #tpu.memory_space<vmem>>
    %dma_wait3A_157 = tpu.memref_squeeze %dma_wait3A_156 : memref<1x128x128xf32, #tpu.memory_space<vmem>> -> memref<128x128xf32, #tpu.memory_space<vmem>>
    %dma_wait3A_158 = arith.constant 0 : i32
    %dma_wait3A_159 = tpu.memref_slice %arg4[%add3A_153, %dma_wait3A_158] : memref<204800x128xf32, #tpu.memory_space<hbm>> -> memref<128x128xf32, #tpu.memory_space<hbm>>
    %dma_wait3A_160 = tpu.memref_slice %arg8[%rem3A_151] : memref<6x!tpu.dma_semaphore, #tpu.memory_space<semaphore_mem>> -> memref<1x!tpu.dma_semaphore, #tpu.memory_space<semaphore_mem>>
    %dma_wait3A_161 = tpu.memref_squeeze %dma_wait3A_160 : memref<1x!tpu.dma_semaphore, #tpu.memory_space<semaphore_mem>> -> memref<!tpu.dma_semaphore, #tpu.memory_space<semaphore_mem>>
    %dma_wait3A_162 = arith.constant 0 : i32
    %dma_wait3A_163 = tpu.memref_slice %arg4[%add3A_153, %dma_wait3A_162] : memref<204800x128xf32, #tpu.memory_space<hbm>> -> memref<128x128xf32, #tpu.memory_space<hbm>>
    %dma_wait3A_164 = arith.constant 0 : i32
    %dma_wait3A_165 = arith.constant 0 : i32
    %dma_wait3A_166 = tpu.memref_slice %arg6[%rem3A_151, %dma_wait3A_164, %dma_wait3A_165] : memref<6x128x128xf32, #tpu.memory_space<vmem>> -> memref<1x128x128xf32, #tpu.memory_space<vmem>>
    %dma_wait3A_167 = tpu.memref_squeeze %dma_wait3A_166 : memref<1x128x128xf32, #tpu.memory_space<vmem>> -> memref<128x128xf32, #tpu.memory_space<vmem>>
    tpu.wait_dma2 semaphore(%dma_wait3A_161 : memref<!tpu.dma_semaphore, #tpu.memory_space<semaphore_mem>>) src(%dma_wait3A_167 : memref<128x128xf32, #tpu.memory_space<vmem>>) dst(%dma_wait3A_163 : memref<128x128xf32, #tpu.memory_space<hbm>>)
    return
  }
}

</mosaic_0001>

<sc_bundles>
// kernel: kernel.3.cloned.1.call-start
scs
__scs_entry_jumppad:
0x0: {  	(pc) =	sbr.rel $0x88, $3  }
0x1: {  	(tag) =	ssettag $0x0;
	lr =	simm.s32 $0x1  }
0x2: {  	[smem:$0x3F9F] =	sst lr;
	_ =	strace $0xD0000000  }
0x3: {  	_ = 	snop  }
0x4: {  	_ = 	snop  }
0x5: {  	_ = 	snop  }
0x6: {  	_ = 	snop  }
0x7: {  	_ = 	snop  }
__scs_overlays_trampoline_lowered:
0x8: {  	[smem:$0x3FAE] =	sst s0  }
0x9: {  	[smem:$0x3FAF] =	sst s1  }
0xa: {  	[smem:$0x3FB0] =	sst s2  }
0xb: {  	[smem:$0x3FB1] =	sst s3  }
0xc: {  	[smem:$0x3FB2] =	sst s4  }
0xd: {  	[smem:$0x3FB3] =	sst s5  }
0xe: {  	[smem:$0x3FB4] =	sst s6  }
0xf: {  	[smem:$0x3FB5] =	sst s7  }
0x10: {  	[smem:$0x3FB6] =	sst s8  }
0x11: {  	[smem:$0x3FB7] =	sst s9;
	s0 =	simm.s32 @!p0 $0x0  }
0x12: {  	s1 =	sld [smem:$0x3F9D];
	s0 =	simm.s32 @p0 $0x1  }
0x13: {  	[smem:$0x3FB8] =	sst s0;
	s0 =	simm.s32 @!p1 $0x0  }
0x14: {  	s2 =	sld [smem:$0x3F9C];
	s0 =	simm.s32 @p1 $0x1  }
0x15: {  	[smem:$0x3FB9] =	sst s0;
	s0 =	simm.s32 @!p2 $0x0  }
0x16: {  	s3 =	sld [smem:$0x3FDB];
	s0 =	simm.s32 @p2 $0x1  }
0x17: {  	s4 =	simm.s32 $0x1BF5;
	[smem:$0x3FBB] =	sst s0  }
0x18: {  	s0 =	sld [smem:$0x3F9E];
	_ =	swait.ge [sflag:s4], $0x0  }
0x19: {  	s7 =	sld [smem:$0x3F9F]  }
0x1a: {  	s8 =	sadd.s32 $0xFFFFE003, lr  }
0x1b: {  	s9 =	sadd.s32 $0xFFFFFEF7, lr;
	s5 =	simm.s32 $0xFFFFFFFF;
	p2 =	slt.u32 s8, $0xFFFFF086  }
0x1c: {  	p1 =	slt.u32 s9, $0xF7A;
	s5 =	simm.s32 @!p2 $0x0  }
0x1d: {  	s5 =	simm.s32 @p1 $0x1;
	p0 =	seq.s32 s7, s2  }
0x1e: {  	s7 =	smul.u32 @!p0 $0xF7A, s2;
	p2 =	seq.s32 @!p0 s5, $0x0  }
0x1f: {  	s9 =	smul.u32 $0xF7A, s1;
	s8 =	simm.s32 @!p0 $0x1BF5;
	p2 =	por !p2, p0  }
0x20: {  	[sflag:s8] =	ssyncset.s32 @!p0 $0xFFFFF086;
	s6 =	sadd.s32 @!p0 s3, s7;
	s7 =	simm.s32 @!p0 $0x108  }
0x21: {  	s3 =	sadd.s32 s3, s9;
	s6 =	sadd.s32 @!p0 $0x88, s6;
	s7 =	simm.s32 @p2 $0x1082  }
0x22: {  	[simem:s7], [sflag:s8] =	dma.local @!p0 [hbm:s6], $0xF7A  }
0x23: {  	s9 =	sor.u32 $0xD0000000, s2;
	s6 =	simm.s32 $0x108;
	_ =	swait.ge @!p0 [sflag:s8], $0x0  }
0x24: {  	s3 =	sadd.s32 $0x88, s3;
	s6 =	simm.s32 @!p1 $0x1082;
	[sflag:s4] =	ssyncset.s32 $0xFFFFF086  }
0x25: {  	[simem:s6], [sflag:s4] =	dma.local [hbm:s3], $0xF7A  }
0x26: {  	[smem:$0x3F9F] =	sst s1;
	(tag) =	ssettag s2;
	_ =	strace s9  }
0x27: {  	s1 =	sld [smem:$0x3FAF]  }
0x28: {  	s2 =	sld [smem:$0x3FB0]  }
0x29: {  	s4 =	sld [smem:$0x3FB2]  }
0x2a: {  	p0 =	seq.s32 s5, $0x0;
	s5 =	sld [smem:$0x3FB3]  }
0x2b: {  	s6 =	sld [smem:$0x3FB4]  }
0x2c: {  	s7 =	sld [smem:$0x3FB5]  }
0x2d: {  	s3 =	simm.s32 $0x108;
	s8 =	sld [smem:$0x3FB6]  }
0x2e: {  	s3 =	simm.s32 @!p0 $0x1082;
	s9 =	sld [smem:$0x3FB7]  }
0x2f: {  	lr =	sadd.s32 s0, s3;
	s0 =	sld [smem:$0x3FAE]  }
0x30: {  	s3 =	sld [smem:$0x3FB1]  }
0x31: {  	[smem:$0x3FBA] =	sst s10  }
0x32: {  	s10 =	sld [smem:$0x3FB8];
	_ =	sdelay $0x3  }
0x33: {  	p0 =	seq.s32 s10, $0x1;
	s10 =	sld [smem:$0x3FBA];
	_ =	sdelay $0x3  }
0x34: {  	[smem:$0x3FBA] =	sst s10  }
0x35: {  	s10 =	sld [smem:$0x3FB9];
	_ =	sdelay $0x3  }
0x36: {  	p1 =	seq.s32 s10, $0x1;
	s10 =	sld [smem:$0x3FBA];
	_ =	sdelay $0x3  }
0x37: {  	[smem:$0x3FBA] =	sst s10  }
0x38: {  	s10 =	sld [smem:$0x3FBB]  }
0x39: {  	_ = 	snop;
	(pc) =	sbr.ind lr, $3  }
0x3a: {  	_ = 	snop  }
0x3b: {  	_ = 	snop  }
0x3c: {  	p2 =	seq.s32 s10, $0x1;
	s10 =	sld [smem:$0x3FBA]  }
0x3d: {  	_ =	shalt  }
0x3e: {  	_ =	shalt  }
0x3f: {  	_ =	shalt  }
0x40: {  	_ =	shalt  }
0x41: {  	_ =	shalt  }
0x42: {  	_ =	shalt  }
0x43: {  	_ =	shalt  }
0x44: {  	_ =	shalt  }
0x45: {  	_ =	shalt  }
0x46: {  	_ =	shalt  }
0x47: {  	_ =	shalt  }
0x48: {  	_ =	shalt  }
0x49: {  	_ =	shalt  }
0x4a: {  	_ =	shalt  }
0x4b: {  	_ =	shalt  }
0x4c: {  	_ =	shalt  }
0x4d: {  	_ =	shalt  }
0x4e: {  	_ =	shalt  }
0x4f: {  	_ =	shalt  }
0x50: {  	_ =	shalt  }
0x51: {  	_ =	shalt  }
0x52: {  	_ =	shalt  }
0x53: {  	_ =	shalt  }
0x54: {  	_ =	shalt  }
0x55: {  	_ =	shalt  }
0x56: {  	_ =	shalt  }
0x57: {  	_ =	shalt  }
0x58: {  	_ =	shalt  }
0x59: {  	_ =	shalt  }
0x5a: {  	_ =	shalt  }
0x5b: {  	_ =	shalt  }
0x5c: {  	_ =	shalt  }
0x5d: {  	_ =	shalt  }
0x5e: {  	_ =	shalt  }
0x5f: {  	_ =	shalt  }
0x60: {  	_ =	shalt  }
0x61: {  	_ =	shalt  }
0x62: {  	_ =	shalt  }
0x63: {  	_ =	shalt  }
0x64: {  	_ =	shalt  }
0x65: {  	_ =	shalt  }
0x66: {  	_ =	shalt  }
0x67: {  	_ =	shalt  }
0x68: {  	_ =	shalt  }
0x69: {  	_ =	shalt  }
0x6a: {  	_ =	shalt  }
0x6b: {  	_ =	shalt  }
0x6c: {  	_ =	shalt  }
0x6d: {  	_ =	shalt  }
0x6e: {  	_ =	shalt  }
0x6f: {  	_ =	shalt  }
0x70: {  	_ =	shalt  }
0x71: {  	_ =	shalt  }
0x72: {  	_ =	shalt  }
0x73: {  	_ =	shalt  }
0x74: {  	_ =	shalt  }
0x75: {  	_ =	shalt  }
0x76: {  	_ =	shalt  }
0x77: {  	_ =	shalt  }
0x78: {  	_ =	shalt  }
0x79: {  	_ =	shalt  }
0x7a: {  	_ =	shalt  }
0x7b: {  	_ =	shalt  }
0x7c: {  	_ =	shalt  }
0x7d: {  	_ =	shalt  }
0x7e: {  	_ =	shalt  }
0x7f: {  	_ =	shalt  }
0x80: {  	_ =	shalt  }
0x81: {  	_ =	shalt  }
0x82: {  	_ =	shalt  }
0x83: {  	_ =	shalt  }
0x84: {  	_ =	shalt  }
0x85: {  	_ =	shalt  }
0x86: {  	_ =	shalt  }
0x87: {  	_ =	shalt  }
.Lfunc_end0:
.L_simem_size_0:
called_computation_lowered:
.L_overlay_start_0:
0x88: {  	s2 =	sld [smem:$0x3FD9]  }
0x89: {  	s3 =	sld [smem:$0x3FFE];
	_ =	sdelay $0x1  }
0x8a: {  	s1 =	srdreg.scid  }
0x8b: {  	s0 =	sand.u32 $0x1, s1  }
0x8c: {  	s17 =	sshll.u32 s0, $0xA;
	s2 =	sadd.s32 s3, s2  }
0x8d: {  	s2 =	sadd.s32 s2, s17  }
0x8e: {  	[smem:$0x3FC6] =	sst s2  }
0x8f: {  	_ = 	snop  }
0x90: {  	s2 =	sld [smem:$0x3FC8]  }
0x91: {  	s18 =	sld [smem:$0x3FD0];
	(tm) =	ssettm $0x1  }
0x92: {  	s4 =	sld [smem:$0x3FFB];
	_ =	sdelay $0x3  }
0x93: {  	_ =	strace s4  }
0x94: {  	s4 =	sld [smem:$0x3FFC];
	_ =	sdelay $0x3  }
0x95: {  	_ =	strace s4  }
0x96: {  	s4 =	sld [smem:$0x3FFD];
	_ =	sdelay $0x3  }
0x97: {  	_ =	strace s4  }
0x98: {  	_ =	strace $0x8FFFFFFF  }
0x99: {  	s19 =	sld [smem:$0x3FDB];
	_ =	sdelay $0x1  }
0x9a: {  	s5 =	simm.s32 $_scs_section_size  }
0x9b: {  	s6 =	simm.s32 $_size__tile_overlayer_lowered;
	s7 =	simm.s32 $_tile_overlayer_lowered  }
0x9c: {  	s22 =	simm.s32 $0x1BFF;
	s21 =	sshll.u32 s7, $0x1;
	s4 =	sadd.s32 s5, s19  }
0x9d: {  	s8 =	simm.s32 $0x0;
	s20 =	sshll.u32 s6, $0x1;
	s6 =	sadd.s32 s21, s4  }
0x9e: {  	[timem:s8], [sflag:s22] =	dma.local [hbm:s6], s20  }
0x9f: {  	_ =	swait.ge [sflag:s22], s20  }
0xa0: {  	s5 =	ssub.s32 $0x0, s20;
	[sflag:s22] =	ssyncset.done $0x0  }
0xa1: {  	[sflag:s22] =	ssyncadd.s32 s5;
	_ =	sdelay $0x1  }
0xa2: {  	s23 =	simm.s32 $0x1B8B  }
0xa3: {  	_ =	swait.ge [sflag:s23], $0x1  }
0xa4: {  	[sflag:s23] =	ssyncset.done $0x0  }
0xa5: {  	s25 =	simm.s32 $0x1B8E;
	s24 =	sld [smem:$0x3FFE];
	[sflag:s23] =	ssyncadd.s32 $0xFFFFFFFF  }
0xa6: {  	s26 =	simm.s32 $execute0_lowered;
	[smem:$0x3FD2] =	sst s25  }
0xa7: {  	s6 =	sshll.u32 s26, $0x1;
	_ =	strace $0x80000046;
	[dreg:$0x1] =	wrdreg $0xFFFFFFFF  }
0xa8: {  	s28 =	simm.s32 $_size_execute0_lowered;
	s4 =	sadd.s32 s4, s6;
	[dreg:$0x0] =	wrdreg $0x0  }
0xa9: {  	s6 =	sshll.u32 s28, $0x1;
	[dreg:$0x2] =	wrdreg s4  }
0xaa: {  	[dreg:$0x3] =	wrdreg s6  }
0xab: {  	[dreg:$0x4] =	wrdreg $0xC0  }
0xac: {  	_ =	task [dreg:s8], $0x5FFFF  }
0xad: {  	[dreg:$0x1] =	wrdreg $0xFFFFFFFF  }
0xae: {  	[dreg:$0x0] =	wrdreg $0x60  }
0xaf: {  	[dreg:$0x2] =	wrdreg s24  }
0xb0: {  	[dreg:$0x3] =	wrdreg s2  }
0xb1: {  	[dreg:$0x4] =	wrdreg s18  }
0xb2: {  	[dreg:$0x5] =	wrdreg $0x9  }
0xb3: {  	_ =	task.clear_ibuf [dreg:s8], $0x6FFFF;
	_ =	strace $0x90000046  }
0xb4: {  	s29 =	simm.s32 $0x9;
	_ =	strace $0x80000048  }
0xb5: {  	_ =	swait.ge [sflag:s29], $0x1  }
0xb6: {  	[sflag:s29] =	ssyncadd.s32 $0xFFFFFFFF  }
0xb7: {  	_ =	strace $0x90000048  }
0xb8: {  	_ =	sfence  }
0xb9: {  	s30 =	sld [smem:$0x0];
	_ =	sdelay $0x2  }
0xba: {  	s31 =	sshll.u32 s1, $0xD;
	s1 =	sshrl.u32 s1, $0x2  }
0xbb: {  	s3 =	sand.u32 $0x4000, s31;
	s1 =	sadd.s32 s1, s30  }
0xbc: {  	s0 =	sor.u32 s3, s0;
	s1 =	sshll.u32 s1, $0x11  }
0xbd: {  	s0 =	sor.u32 s1, s0  }
0xbe: {  	s0 =	sadd.s32 $0x8F2B, s0  }
0xbf: {  	[sflag:s0] =	ssyncadd.remote.s32 $0x1  }
0xc0: {  	_ =	sfence.sel $0xFFFF  }
0xc1: {  	[dreg:$0x0] =	wrdreg $0xFFFFFFFF;
	(pc) =	sbr.abs _section_cstart, $3  }
0xc2: {  	[dreg:$0x1] =	wrdreg $0xFFFFFFFF  }
0xc3: {  	_ =	task.clear_ibuf [dreg:s8], $0x2FFFF;
	_ =	strace $0x9FFFFFFF  }
0xc4: {  	(tm) =	ssettm $0x7FFFFFFF  }
0xc5: {  	_ =	shalt  }
tec
execute0_lowered:
.L_overlay_start_1:
0x0: {  	(tag) =	ssettag $0x1  }
0x1: {  	s4 =	rddreg [dreg:$0x0]  }
0x2: {  	s1 =	srdreg.scid;
	s2 =	rddreg [dreg:$0x1]  }
0x3: {  	s0 =	stileid.u32;
	s6 =	rddreg [dreg:$0x2];
	s3 =	simm.s32 $0x0  }
0x4: {  	s10 =	simm.s32 $0x5C00;
	s11 =	simm.s32 $0x100;
	s12 =	simm.s32 $0x9C00  }
0x5: {  	s13 =	simm.s32 $0x9;
	s14 =	simm.s32 $0xA;
	s15 =	simm.s32 $0xB  }
0x6: {  	s16 =	simm.s32 $0xC;
	s17 =	simm.s32 $0x7;
	s18 =	simm.s32 $0x8  }
0x7: {  	s5 =	sand.u32 $0x1, s1;
	s29 =	sshll.u32 s0, $0x1;
	s8 =	smul.u32 $0x190000, s0  }
0x8: {  	s19 =	simm.s32 $0x0;
	s1 =	sor.u32 s5, s29;
	s9 =	smul.u32 $0xC8000, s5  }
0x9: {  	[smem:$0x7FF] =	sst s3;
	s5 =	ssub.s32 $0x2, s5;
	s7 =	smul.u32 $0x380, s1  }
0xa: {  	_ =	strace $0x80000047;
	s30 =	sshrl.u32 s5, $0x1;
	s8 =	sadd.s32 s9, s8  }
0xb: {  	s5 =	ssub.s32 s5, s30;
	s9 =	simm.s32 $0x1C00;
	s4 =	sadd.s32 s7, s4  }
0xc: {  	s31 =	sshrl.u32 s8, $0x3;
	s5 =	smax.u32 s5, $0x1;
	s7 =	simm.s32 $0xD  }
0xd: {  	s8 =	simm.s32 $0x80;
	s4 =	sadd.s32 $0x400, s4;
	s6 =	sadd.s32 s31, s6  }
.LBB2_1:
0xe: {  	[tilespmem:s3], [sflag:$0xD] =	stream.linear.gather [hbm4b:s4+s3], $0x1900, $0x38;
	[tilespmem:$0x19C00] =	vst v63  }
0xf: {  	p0 =	por $0x0, $0x0  }
0x10: {  	_ =	swait.ge [sflag:s7], $0x1900;
	p1 =	por @!p0 $0x1, $0x1  }
0x11: {  	s20 =	simm.s32 $0x3;
	[sflag:s7] =	ssyncset.done $0x0;
	p1 =	por p1, p0  }
0x12: {  	s22 =	smul.u32 $0xAB, s3;
	[sflag:s7] =	ssyncadd.s32 $0xFFFFE700;
	s21 =	simm.s32 @!p1 $0xFFFFFFFD  }
0x13: {  	[tilespmem:s9], [sflag:$0x1] =	stream.indirect.gather [hbm4b:s2+s8], $0x80, s3, s8, $0xb8;
	[tilespmem:$0x19C00] =	vst v63  }
0x14: {  	s20 =	smul.u32 @!p0 $0xAB, s20;
	s22 =	sshrl.u32 s22, $0xA;
	s21 =	sand.u32 @!p1 $0xFF, s21  }
0x15: {  	s22 =	sand.u32 $0x3F, s22;
	s21 =	smul.u32 @!p1 $0xAB, s21  }
0x16: {  	[tilespmem:s10], [sflag:$0x2] =	stream.indirect.gather [hbm4b:s2+s8], $0x80, s8, s8, $0xb8;
	[tilespmem:$0x19C00] =	vst v63  }
0x17: {  	s20 =	sshrl.u32 @!p0 s20, $0xA;
	s22 =	smul.u32 $0x6, s22;
	s21 =	sshrl.u32 @!p1 s21, $0xA  }
0x18: {  	s20 =	sand.u32 @!p0 $0x3F, s20;
	s21 =	smul.u32 @!p1 $0x6, s21  }
0x19: {  	[tilespmem:s12], [sflag:$0x3] =	stream.indirect.gather [hbm4b:s2+s8], $0x80, s11, s8, $0xb8;
	[tilespmem:$0x19C00] =	vst v63  }
0x1a: {  	s24 =	simm.s32 $0x180;
	s23 =	smul.u32 @!p0 $0x6, s20;
	s21 =	ssub.s32 @!p1 $0xFFFFFFFD, s21  }
0x1b: {  	s20 =	simm.s32 $0x1;
	s22 =	ssub.s32 $0x0, s22;
	s21 =	sand.u32 @!p1 $0xFF, s21  }
0x1c: {  	s25 =	ssub.s32 @!p0 $0x3, s23;
	s23 =	simm.s32 $0x2;
	s21 =	sadd.s32 @!p1 $0x7, s21  }
0x1d: {  	s28 =	sand.u32 $0xFF, s22;
	s25 =	sand.u32 @!p0 $0xFF, s25;
	_ =	swait.ge @!p1 [sflag:s21], $0x4000  }
0x1e: {  	s26 =	sshll.u32 @!p0 s25, $0xE;
	s25 =	sadd.s32 @!p0 $0x1, s25;
	[sflag:s21] =	ssyncset.done @!p1 $0x0  }
0x1f: {  	s22 =	sor.u32 @!p0 $0x1C00, s26;
	[sflag:s21] =	ssyncadd.s32 @!p1 $0xFFFFC000;
	s21 =	simm.s32 @!p0 $0x80  }
0x20: {  	[tilespmem:s22], [sflag:s25] =	stream.indirect.gather @!p0 [hbm4b:s2+s21], $0x80, s24, s21, $0xb8;
	[tilespmem:$0x19C00] =	vst v63  }
0x21: {  	s30 =	sadd.s32 $0x1, s28;
	s26 =	sshll.u32 s28, $0xE;
	s21 =	sadd.s32 $0x800, s6  }
0x22: {  	s22 =	simm.s32 $0x200;
	s25 =	simm.s32 $0x4;
	_ =	swait.ge [sflag:s30], $0x4000  }
0x23: {  	p0 =	por $0x0, $0x0;
	s24 =	smov.u32 s6;
	[sflag:s30] =	ssyncset.done $0x0  }
0x24: {  	p2 =	por @!p0 $0x1, $0x1;
	s29 =	smul.u32 @!p0 $0xAB, s25;
	[sflag:s30] =	ssyncadd.s32 $0xFFFFC000  }
.LBB2_2:
0x25: {  	p2 =	por p2, p0  }
0x26: {  	s28 =	sadd.s32 $0x7, s28;
	s30 =	smov.u32 s23;
	s23 =	sadd.s32 $0x1, s23  }
0x27: {  	s26 =	sor.u32 $0x1C00, s26;
	s31 =	sadd.s32 @!p2 $0xFFFFFFFD, s20;
	s29 =	sshrl.u32 @!p0 s29, $0xA  }
0x28: {  	s0 =	smul.u32 $0xAB, s20;
	s1 =	sand.u32 @!p2 $0xFF, s31;
	s29 =	sand.u32 @!p0 $0x3F, s29  }
0x29: {  	p1 =	sne.s32 s23, $0x32;
	s1 =	smul.u32 @!p2 $0xAB, s1  }
0x2a: {  	[hbm4b:s24+s3] =	stream.linear.scatter [tilespmem:s26], [sflag:s28], $0x4000, $0x38;
	[tilespmem:$0x19C00] =	vst v63  }
0x2b: {  	s0 =	sshrl.u32 s0, $0xA;
	s26 =	smul.u32 @!p0 $0x6, s29;
	s1 =	sshrl.u32 @!p2 s1, $0xA  }
0x2c: {  	s0 =	sand.u32 $0x3F, s0;
	s24 =	smov.u32 s21;
	s1 =	smul.u32 @!p2 $0x6, s1  }
0x2d: {  	s0 =	smul.u32 $0x6, s0;
	s25 =	ssub.s32 @!p0 s25, s26  }
0x2e: {  	s25 =	sand.u32 @!p0 $0xFF, s25;
	s1 =	ssub.s32 @!p2 s31, s1  }
0x2f: {  	s26 =	sshll.u32 @!p0 s25, $0xE;
	s25 =	sadd.s32 @!p0 $0x1, s25;
	s1 =	sand.u32 @!p2 $0xFF, s1  }
0x30: {  	s0 =	ssub.s32 s20, s0;
	s29 =	sor.u32 @!p0 $0x1C00, s26;
	s1 =	sadd.s32 @!p2 $0x7, s1  }
0x31: {  	s20 =	smov.u32 s30;
	s28 =	sand.u32 $0xFF, s0;
	_ =	swait.ge @!p2 [sflag:s1], $0x4000  }
0x32: {  	s0 =	simm.s32 @!p0 $0x80;
	s26 =	sshll.u32 s28, $0xE;
	[sflag:s1] =	ssyncset.done @!p2 $0x0  }
.Ltmp0:
0x33: {  	[sflag:s1] =	ssyncadd.s32 @!p2 $0xFFFFC000;
	s1 =	sadd.s32 $0x1, s28;
	(pc) =	sbr.rel @p1 .LBB2_2-.Ltmp0, $4  }
0x34: {  	[tilespmem:s29], [sflag:s25] =	stream.indirect.gather @!p0 [hbm4b:s2+s0], $0x80, s22, s0, $0xb8;
	[tilespmem:$0x19C00] =	vst v63  }
0x35: {  	s21 =	sadd.s32 $0x800, s21;
	s22 =	sadd.s32 $0x80, s22;
	_ =	swait.ge [sflag:s1], $0x4000  }
0x36: {  	s25 =	sadd.s32 $0x3, s20;
	p0 =	sgt.u32 s20, $0x2E;
	[sflag:s1] =	ssyncset.done $0x0  }
0x37: {  	p2 =	slt.u32 @!p0 s20, $0x3;
	s29 =	smul.u32 @!p0 $0xAB, s25;
	[sflag:s1] =	ssyncadd.s32 $0xFFFFC000  }
0x38: {  	p1 =	por p2, p0  }
0x39: {  	s0 =	sadd.s32 $0x7, s28;
	s26 =	sor.u32 $0x1C00, s26;
	s1 =	sadd.s32 @!p1 $0xFFFFFFFD, s20  }
0x3a: {  	[hbm4b:s24+s3] =	stream.linear.scatter [tilespmem:s26], [sflag:s0], $0x4000, $0x38;
	[tilespmem:$0x19C00] =	vst v63  }
0x3b: {  	s28 =	sand.u32 @!p1 $0xFF, s1  }
0x3c: {  	s23 =	sshrl.u32 @!p0 s29, $0xA;
	s28 =	smul.u32 @!p1 $0xAB, s28  }
0x3d: {  	s31 =	smul.u32 $0xAB, s20;
	s23 =	sand.u32 @!p0 $0x3F, s23  }
0x3e: {  	s23 =	smul.u32 @!p0 $0x6, s23;
	s0 =	sshrl.u32 @!p1 s28, $0xA  }
0x3f: {  	s0 =	smul.u32 @!p1 $0x6, s0  }
0x40: {  	s28 =	sshrl.u32 s31, $0xA  }
0x41: {  	s23 =	ssub.s32 @!p0 s25, s23;
	s24 =	sand.u32 $0x3F, s28;
	s0 =	ssub.s32 @!p1 s1, s0  }
0x42: {  	s23 =	sand.u32 @!p0 $0xFF, s23;
	s29 =	smul.u32 $0x6, s24;
	s0 =	sand.u32 @!p1 $0xFF, s0  }
0x43: {  	s24 =	sshll.u32 @!p0 s23, $0xE;
	s0 =	sadd.s32 @!p1 $0x7, s0  }
0x44: {  	s23 =	sadd.s32 @!p0 $0x1, s23;
	s1 =	ssub.s32 s20, s29;
	_ =	swait.ge @!p1 [sflag:s0], $0x4000  }
0x45: {  	s20 =	sor.u32 @!p0 $0x1C00, s24;
	s1 =	sand.u32 $0xFF, s1;
	[sflag:s0] =	ssyncset.done @!p1 $0x0  }
0x46: {  	s30 =	sadd.s32 $0x1, s1;
	[sflag:s0] =	ssyncadd.s32 @!p1 $0xFFFFC000;
	s0 =	simm.s32 @!p0 $0x80  }
0x47: {  	[tilespmem:s20], [sflag:s23] =	stream.indirect.gather @!p0 [hbm4b:s2+s0], $0x80, s22, s0, $0xb8;
	[tilespmem:$0x19C00] =	vst v63  }
0x48: {  	_ =	swait.ge [sflag:s30], $0x4000  }
0x49: {  	s31 =	sshll.u32 s1, $0xE;
	[sflag:s30] =	ssyncset.done $0x0  }
0x4a: {  	s1 =	sadd.s32 $0x7, s1;
	s0 =	sor.u32 $0x1C00, s31;
	[sflag:s30] =	ssyncadd.s32 $0xFFFFC000  }
0x4b: {  	[hbm4b:s21+s3] =	stream.linear.scatter [tilespmem:s0], [sflag:s1], $0x4000, $0x38;
	[tilespmem:$0x19C00] =	vst v63  }
0x4c: {  	_ =	swait.ge [sflag:s13], $0x4000  }
0x4d: {  	[sflag:s13] =	ssyncset.done $0x0  }
0x4e: {  	[sflag:s13] =	ssyncadd.s32 $0xFFFFC000  }
0x4f: {  	_ =	swait.ge [sflag:s14], $0x4000  }
0x50: {  	[sflag:s14] =	ssyncset.done $0x0  }
0x51: {  	[sflag:s14] =	ssyncadd.s32 $0xFFFFC000  }
0x52: {  	_ =	swait.ge [sflag:s15], $0x4000  }
0x53: {  	[sflag:s15] =	ssyncset.done $0x0  }
0x54: {  	[sflag:s15] =	ssyncadd.s32 $0xFFFFC000  }
0x55: {  	_ =	swait.ge [sflag:s16], $0x4000  }
0x56: {  	[sflag:s16] =	ssyncset.done $0x0  }
0x57: {  	s19 =	sadd.s32 $0x1, s19;
	[sflag:s16] =	ssyncadd.s32 $0xFFFFC000  }
0x58: {  	p0 =	sne.s32 s19, s5;
	_ =	swait.ge [sflag:s17], $0x4000  }
.Ltmp1:
0x59: {  	[sflag:s17] =	ssyncset.done $0x0;
	(pc) =	sbr.rel @p0 .LBB2_1-.Ltmp1, $4  }
0x5a: {  	[sflag:s17] =	ssyncadd.s32 $0xFFFFC000  }
0x5b: {  	_ =	swait.ge [sflag:s18], $0x4000  }
0x5c: {  	[sflag:s18] =	ssyncset.done $0x0  }
0x5d: {  	[sflag:s18] =	ssyncadd.s32 $0xFFFFC000  }
0x5e: {  	_ =	sfence.sel $0x180000  }
0x5f: {  	[bflag:$0x0] =	sbarrier.arrive $0xFFFF  }
0x60: {  	_ =	strace $0x90000047  }
0x61: {  	s0 =	stileid.u32;
	[bflag:$0x2] =	sbarrier.arrive $0xFFFF  }
0x62: {  	p0 =	sne.s32 s0, $0x0;
	s0 =	rddreg [dreg:$0x3]  }
0x63: {  	s0 =	sadd.s32 @!p0 $0x100000, s0  }
0x64: {  	[sflag:s0] =	ssyncadd.tile.s32 @!p0 $0x1;
	_ =	shalt  }
.Lfunc_end2:
_tile_overlayer_lowered:
.L_overlay_start_2:
0x65: {  	(tag) =	ssettag $0x2  }
0x66: {  	s0 =	rddreg [dreg:$0x0];
	s2 =	stileid.u32  }
0x67: {  	s1 =	rddreg [dreg:$0x1];
	p0 =	sne.s32 s2, $0x0  }
0x68: {  	s3 =	rddreg [dreg:$0x2];
	[bflag:$0x3] =	sbarrier.arrive $0xFFFF;
	s2 =	simm.s32 @!p0 $0x1C0D  }
0x69: {  	[timem:s3], [sflag:s2] =	dma.local @!p0 [hbm:s0], s1  }
0x6a: {  	s0 =	simm.s32 @!p0 $0xD  }
0x6b: {  	_ =	swait.ge @!p0 [sflag:s0], s1  }
0x6c: {  	s1 =	ssub.s32 @!p0 $0x0, s1;
	[sflag:s0] =	ssyncset.done @!p0 $0x0  }
0x6d: {  	[sflag:s0] =	ssyncadd.s32 @!p0 s1  }
0x6e: {  	[bflag:$0x3] =	sbarrier.arrive $0xFFFF  }
0x6f: {  	_ =	shalt  }

</sc_bundles>
